<compile_context>
chip_gen: v7x
topology: tpu7x:2x2x1
jax: 0.10.2.dev20260603
libtpu: 0.0.44.dev20260713+nightly
codegen_flags: <defaults>
</compile_context>

<pallas_src>
import functools

import jax
import jax.numpy as jnp
from jax import lax
from jax.experimental import pallas as pl
from jax.experimental.pallas import tpu as pltpu
from jax.experimental.pallas import tpu_sc as plsc

NUM_CORES = 2
NUM_SUBCORES = 16
NUM_WORKERS = NUM_CORES * NUM_SUBCORES
IDX_CHUNK = 128


@functools.partial(jax.jit, static_argnames=("batch", "ctx", "emb"))
def _pool_sc(idx, emb_table, *, batch, ctx, emb):
    chunks = idx.shape[1]
    rows_per_worker = batch // NUM_WORKERS
    idx_per_worker = chunks * IDX_CHUNK

    mesh = plsc.VectorSubcoreMesh(
        core_axis_name="c", subcore_axis_name="s",
        num_cores=NUM_CORES, num_subcores=NUM_SUBCORES)

    @functools.partial(
        pl.kernel,
        mesh=mesh,
        out_type=jax.ShapeDtypeStruct((batch, emb), jnp.float32),
        scratch_types=[
            pltpu.VMEM((chunks, IDX_CHUNK), jnp.int32),
            pltpu.VMEM((idx_per_worker, emb), jnp.float32),
            pltpu.VMEM((rows_per_worker, emb), jnp.float32),
            pltpu.SemaphoreType.DMA,
        ],
        compiler_params=pltpu.CompilerParams(use_tc_tiling_on_sc=False),
    )
    def pool_kernel(idx_hbm, table_hbm, out_hbm, idx_v, rows_v, pooled_v, sem):
        wid = lax.axis_index("s") * NUM_CORES + lax.axis_index("c")
        pltpu.sync_copy(idx_hbm.at[wid], idx_v)
        copies = []
        for j in range(chunks):
            copies.append(pltpu.async_copy(
                table_hbm.at[idx_v.at[j]],
                rows_v.at[pl.ds(j * IDX_CHUNK, IDX_CHUNK), :],
                sem))
        for c in copies:
            c.wait()

        def row_body(r, carry):
            base = r * ctx
            s = rows_v[base]
            for t in range(1, ctx):
                s = s + rows_v[base + t]
            pooled_v[r] = s * jnp.float32(1.0 / ctx)
            return carry

        lax.fori_loop(0, rows_per_worker, row_body, 0)
        pltpu.sync_copy(
            pooled_v, out_hbm.at[pl.ds(wid * rows_per_worker, rows_per_worker)])

    return pool_kernel(idx, emb_table)


@functools.partial(jax.jit, static_argnames=("block_m",))
def _dense_tc(pooled, dense_kernel, bias2d, *, block_m=64):
    batch, emb = pooled.shape
    vocab = dense_kernel.shape[1]
    nsteps = batch // block_m

    def body(x_ref, w_ref, b_ref, o_hbm, acc, sem):
        n = pl.program_id(0)
        slot = lax.rem(n, 2)

        def row_copy(src_slot, dst_step, r):
            return pltpu.make_async_copy(
                acc.at[src_slot, pl.ds(r, 1), :],
                o_hbm.at[pl.ds(dst_step * block_m + r, 1), :],
                sem.at[src_slot, r])

        @pl.when(n >= 2)
        def _wait_prev():
            for r in range(block_m):
                row_copy(slot, n - 2, r).wait()

        acc[slot] = (
            jnp.dot(x_ref[...], w_ref[...], preferred_element_type=jnp.float32)
            + b_ref[...])
        for r in range(block_m):
            row_copy(slot, n, r).start()

        @pl.when(n == nsteps - 1)
        def _drain():
            for r in range(block_m):
                row_copy(1 - slot, n - 1, r).wait()
            for r in range(block_m):
                row_copy(slot, n, r).wait()

    return pl.pallas_call(
        body,
        grid=(nsteps,),
        in_specs=[
            pl.BlockSpec((block_m, emb), lambda m: (m, 0)),
            pl.BlockSpec((emb, vocab), lambda m: (0, 0)),
            pl.BlockSpec((1, vocab), lambda m: (0, 0)),
        ],
        out_specs=pl.BlockSpec(memory_space=pl.ANY),
        out_shape=jax.ShapeDtypeStruct((batch, vocab), jnp.float32),
        scratch_shapes=[
            pltpu.VMEM((2, block_m, vocab), jnp.float32),
            pltpu.SemaphoreType.DMA((2, block_m)),
        ],
    )(pooled, dense_kernel, bias2d)


def kernel(context_words, emb_table, dense_kernel, dense_bias):
    batch, ctx = context_words.shape
    vocab, emb = emb_table.shape
    total_idx = batch * ctx
    assert total_idx % (NUM_WORKERS * IDX_CHUNK) == 0
    idx = context_words.astype(jnp.int32).reshape(
        NUM_WORKERS, total_idx // (NUM_WORKERS * IDX_CHUNK), IDX_CHUNK)
    pooled = _pool_sc(idx, emb_table, batch=batch, ctx=ctx, emb=emb)
    return _dense_tc(pooled, dense_kernel, dense_bias.reshape(1, vocab))

# --- scband reference (transcript-rebuilt; emitter-appended) ---
"""Pipeline reference for scband-cbowmodel-55705725829155 (READ-ONLY COPY).

The authoritative reference and input builder live on the scoring server;
editing this copy changes nothing except your own understanding.
"""

import jax, jax.numpy as jnp
import numpy as np

VOCAB = 100000
EMB = 16
BATCH = 1024
CTX = 20


def setup_inputs(seed: int = 0) -> dict:
    key = jax.random.key(seed)
    k1, k2, k3, k4 = jax.random.split(key, 4)
    context_words = jax.random.randint(k1, (BATCH, CTX), 0, VOCAB, dtype=jnp.int64 if jax.config.jax_enable_x64 else jnp.int32)
    emb_table = jax.random.normal(k2, (VOCAB, EMB), dtype=jnp.float32) * 0.05
    # Keras Dense: kernel [in_dim, out_dim], bias [out_dim]
    dense_kernel = jax.random.normal(k3, (EMB, VOCAB), dtype=jnp.float32) * 0.05
    dense_bias = jnp.zeros((VOCAB,), dtype=jnp.float32)
    return {
        "context_words": context_words,
        "emb_table": emb_table,
        "dense_kernel": dense_kernel,
        "dense_bias": dense_bias,
    }


def reference(context_words, emb_table, dense_kernel, dense_bias):
    # Embedding lookup: [B, CTX] -> [B, CTX, EMB]
    embedded = jnp.take(emb_table, context_words, axis=0)
    # Mean over context window: [B, EMB]
    embedding_mean = jnp.mean(embedded, axis=1)
    # Dense projection to vocab logits: [B, VOCAB]
    logits = embedding_mean @ dense_kernel + dense_bias
    return logits

if __name__ == "__main__":
    import jax
    _d = setup_inputs()
    print(jax.jit(kernel)(*tuple(_d.values())))

</pallas_src>

<mosaic_0001>
#map = affine_map<(d0, d1) -> (0, 0, 0)>
#map1 = affine_map<(d0, d1) -> (0, 0)>
module attributes {stable_mosaic.version = 14 : i64} {
  func.func @pool_kernel(%arg0: i32, %arg1: i32, %arg2: memref<32x5x128xi32, #tpu.memory_space<hbm>>, %arg3: memref<100000x16xf32, #tpu.memory_space<hbm>>, %arg4: memref<1024x16xf32, #tpu.memory_space<hbm>>, %arg5: memref<5x128xi32, #tpu.memory_space<vmem>>, %arg6: memref<640x16xf32, #tpu.memory_space<vmem>>, %arg7: memref<32x16xf32, #tpu.memory_space<vmem>>, %arg8: memref<!tpu.dma_semaphore, #tpu.memory_space<semaphore_mem>>) attributes {dimension_semantics = [#tpu.dimension_semantics<core_parallel>, #tpu.dimension_semantics<subcore_parallel>], iteration_bounds = array<i64: 2, 16>, scalar_prefetch = 0 : i64, scratch_operands = 4 : i64, tpu.core_type = #tpu.core_type<sc_vector_subcore>, window_params = [{transform_indices = #map}, {transform_indices = #map1}, {transform_indices = #map1}]} {
    %mul3A = arith.constant 2 : i32
    %mul3A_0 = arith.muli %arg1, %mul3A : i32
    %add3A = arith.addi %mul3A_0, %arg0 : i32
    "tpu.region"() ({
      %run_scoped3A = tpu.sem_alloc : memref<!tpu.dma_semaphore, #tpu.memory_space<semaphore_mem>>
      %dma_start3A_106 = arith.constant 0 : i32
      %dma_start3A_107 = arith.constant 0 : i32
      %dma_start3A_108 = tpu.memref_slice %arg2[%add3A, %dma_start3A_106, %dma_start3A_107] : memref<32x5x128xi32, #tpu.memory_space<hbm>> -> memref<1x5x128xi32, #tpu.memory_space<hbm>>
      %dma_start3A_109 = tpu.memref_squeeze %dma_start3A_108 : memref<1x5x128xi32, #tpu.memory_space<hbm>> -> memref<5x128xi32, #tpu.memory_space<hbm>>
      %dma_start3A_110 = arith.constant 0 : i32
      %dma_start3A_111 = arith.constant 0 : i32
      %dma_start3A_112 = tpu.memref_slice %arg2[%add3A, %dma_start3A_110, %dma_start3A_111] : memref<32x5x128xi32, #tpu.memory_space<hbm>> -> memref<1x5x128xi32, #tpu.memory_space<hbm>>
      %dma_start3A_113 = tpu.memref_squeeze %dma_start3A_112 : memref<1x5x128xi32, #tpu.memory_space<hbm>> -> memref<5x128xi32, #tpu.memory_space<hbm>>
      tpu.enqueue_dma source(%dma_start3A_113 : memref<5x128xi32, #tpu.memory_space<hbm>>) target(%arg5 : memref<5x128xi32, #tpu.memory_space<vmem>>) target_semaphore(%run_scoped3A : memref<!tpu.dma_semaphore, #tpu.memory_space<semaphore_mem>>)
      %dma_wait3A_114 = arith.constant 0 : i32
      %dma_wait3A_115 = arith.constant 0 : i32
      %dma_wait3A_116 = tpu.memref_slice %arg2[%add3A, %dma_wait3A_114, %dma_wait3A_115] : memref<32x5x128xi32, #tpu.memory_space<hbm>> -> memref<1x5x128xi32, #tpu.memory_space<hbm>>
      %dma_wait3A_117 = tpu.memref_squeeze %dma_wait3A_116 : memref<1x5x128xi32, #tpu.memory_space<hbm>> -> memref<5x128xi32, #tpu.memory_space<hbm>>
      %dma_wait3A_118 = arith.constant 0 : i32
      %dma_wait3A_119 = arith.constant 0 : i32
      %dma_wait3A_120 = tpu.memref_slice %arg2[%add3A, %dma_wait3A_118, %dma_wait3A_119] : memref<32x5x128xi32, #tpu.memory_space<hbm>> -> memref<1x5x128xi32, #tpu.memory_space<hbm>>
      %dma_wait3A_121 = tpu.memref_squeeze %dma_wait3A_120 : memref<1x5x128xi32, #tpu.memory_space<hbm>> -> memref<5x128xi32, #tpu.memory_space<hbm>>
      tpu.wait_dma2 semaphore(%run_scoped3A : memref<!tpu.dma_semaphore, #tpu.memory_space<semaphore_mem>>) src(%dma_wait3A_121 : memref<5x128xi32, #tpu.memory_space<hbm>>) dst(%arg5 : memref<5x128xi32, #tpu.memory_space<vmem>>)
      tpu.yield
    }) : () -> ()
    %dma_start3A = arith.constant 0 : i32
    %dma_start3A_1 = arith.constant 0 : i32
    %dma_start3A_2 = arith.constant 0 : i32
    %dma_start3A_3 = tpu.memref_slice %arg6[%dma_start3A_1, %dma_start3A_2] : memref<640x16xf32, #tpu.memory_space<vmem>> -> memref<128x16xf32, #tpu.memory_space<vmem>>
    %dma_start3A_4 = arith.constant 0 : i32
    %dma_start3A_5 = tpu.memref_slice %arg5[%dma_start3A, %dma_start3A_4] : memref<5x128xi32, #tpu.memory_space<vmem>> -> memref<1x128xi32, #tpu.memory_space<vmem>>
    %dma_start3A_6 = tpu.memref_squeeze %dma_start3A_5 : memref<1x128xi32, #tpu.memory_space<vmem>> -> memref<128xi32, #tpu.memory_space<vmem>>
    %dma_start3A_7 = arith.constant 0 : i32
    %dma_start3A_8 = arith.constant 0 : i32
    %dma_start3A_9 = tpu.memref_slice %arg3[%dma_start3A_7, %dma_start3A_8] : memref<100000x16xf32, #tpu.memory_space<hbm>> -> memref<100000x16xf32, #tpu.memory_space<hbm>>
    tpu.enqueue_indirect_dma source(%dma_start3A_9 : memref<100000x16xf32, #tpu.memory_space<hbm>>) target(%dma_start3A_3 : memref<128x16xf32, #tpu.memory_space<vmem>>) offsets(%dma_start3A_6 : memref<128xi32, #tpu.memory_space<vmem>>) semaphore(%arg8 : memref<!tpu.dma_semaphore, #tpu.memory_space<semaphore_mem>>)
    %dma_start3A_10 = arith.constant 1 : i32
    %dma_start3A_11 = arith.constant 128 : i32
    %dma_start3A_12 = arith.constant 0 : i32
    %dma_start3A_13 = tpu.memref_slice %arg6[%dma_start3A_11, %dma_start3A_12] : memref<640x16xf32, #tpu.memory_space<vmem>> -> memref<128x16xf32, #tpu.memory_space<vmem>>
    %dma_start3A_14 = arith.constant 0 : i32
    %dma_start3A_15 = tpu.memref_slice %arg5[%dma_start3A_10, %dma_start3A_14] : memref<5x128xi32, #tpu.memory_space<vmem>> -> memref<1x128xi32, #tpu.memory_space<vmem>>
    %dma_start3A_16 = tpu.memref_squeeze %dma_start3A_15 : memref<1x128xi32, #tpu.memory_space<vmem>> -> memref<128xi32, #tpu.memory_space<vmem>>
    %dma_start3A_17 = arith.constant 0 : i32
    %dma_start3A_18 = arith.constant 0 : i32
    %dma_start3A_19 = tpu.memref_slice %arg3[%dma_start3A_17, %dma_start3A_18] : memref<100000x16xf32, #tpu.memory_space<hbm>> -> memref<100000x16xf32, #tpu.memory_space<hbm>>
    tpu.enqueue_indirect_dma source(%dma_start3A_19 : memref<100000x16xf32, #tpu.memory_space<hbm>>) target(%dma_start3A_13 : memref<128x16xf32, #tpu.memory_space<vmem>>) offsets(%dma_start3A_16 : memref<128xi32, #tpu.memory_space<vmem>>) semaphore(%arg8 : memref<!tpu.dma_semaphore, #tpu.memory_space<semaphore_mem>>)
    %dma_start3A_20 = arith.constant 2 : i32
    %dma_start3A_21 = arith.constant 256 : i32
    %dma_start3A_22 = arith.constant 0 : i32
    %dma_start3A_23 = tpu.memref_slice %arg6[%dma_start3A_21, %dma_start3A_22] : memref<640x16xf32, #tpu.memory_space<vmem>> -> memref<128x16xf32, #tpu.memory_space<vmem>>
    %dma_start3A_24 = arith.constant 0 : i32
    %dma_start3A_25 = tpu.memref_slice %arg5[%dma_start3A_20, %dma_start3A_24] : memref<5x128xi32, #tpu.memory_space<vmem>> -> memref<1x128xi32, #tpu.memory_space<vmem>>
    %dma_start3A_26 = tpu.memref_squeeze %dma_start3A_25 : memref<1x128xi32, #tpu.memory_space<vmem>> -> memref<128xi32, #tpu.memory_space<vmem>>
    %dma_start3A_27 = arith.constant 0 : i32
    %dma_start3A_28 = arith.constant 0 : i32
    %dma_start3A_29 = tpu.memref_slice %arg3[%dma_start3A_27, %dma_start3A_28] : memref<100000x16xf32, #tpu.memory_space<hbm>> -> memref<100000x16xf32, #tpu.memory_space<hbm>>
    tpu.enqueue_indirect_dma source(%dma_start3A_29 : memref<100000x16xf32, #tpu.memory_space<hbm>>) target(%dma_start3A_23 : memref<128x16xf32, #tpu.memory_space<vmem>>) offsets(%dma_start3A_26 : memref<128xi32, #tpu.memory_space<vmem>>) semaphore(%arg8 : memref<!tpu.dma_semaphore, #tpu.memory_space<semaphore_mem>>)
    %dma_start3A_30 = arith.constant 3 : i32
    %dma_start3A_31 = arith.constant 384 : i32
    %dma_start3A_32 = arith.constant 0 : i32
    %dma_start3A_33 = tpu.memref_slice %arg6[%dma_start3A_31, %dma_start3A_32] : memref<640x16xf32, #tpu.memory_space<vmem>> -> memref<128x16xf32, #tpu.memory_space<vmem>>
    %dma_start3A_34 = arith.constant 0 : i32
    %dma_start3A_35 = tpu.memref_slice %arg5[%dma_start3A_30, %dma_start3A_34] : memref<5x128xi32, #tpu.memory_space<vmem>> -> memref<1x128xi32, #tpu.memory_space<vmem>>
    %dma_start3A_36 = tpu.memref_squeeze %dma_start3A_35 : memref<1x128xi32, #tpu.memory_space<vmem>> -> memref<128xi32, #tpu.memory_space<vmem>>
    %dma_start3A_37 = arith.constant 0 : i32
    %dma_start3A_38 = arith.constant 0 : i32
    %dma_start3A_39 = tpu.memref_slice %arg3[%dma_start3A_37, %dma_start3A_38] : memref<100000x16xf32, #tpu.memory_space<hbm>> -> memref<100000x16xf32, #tpu.memory_space<hbm>>
    tpu.enqueue_indirect_dma source(%dma_start3A_39 : memref<100000x16xf32, #tpu.memory_space<hbm>>) target(%dma_start3A_33 : memref<128x16xf32, #tpu.memory_space<vmem>>) offsets(%dma_start3A_36 : memref<128xi32, #tpu.memory_space<vmem>>) semaphore(%arg8 : memref<!tpu.dma_semaphore, #tpu.memory_space<semaphore_mem>>)
    %dma_start3A_40 = arith.constant 4 : i32
    %dma_start3A_41 = arith.constant 512 : i32
    %dma_start3A_42 = arith.constant 0 : i32
    %dma_start3A_43 = tpu.memref_slice %arg6[%dma_start3A_41, %dma_start3A_42] : memref<640x16xf32, #tpu.memory_space<vmem>> -> memref<128x16xf32, #tpu.memory_space<vmem>>
    %dma_start3A_44 = arith.constant 0 : i32
    %dma_start3A_45 = tpu.memref_slice %arg5[%dma_start3A_40, %dma_start3A_44] : memref<5x128xi32, #tpu.memory_space<vmem>> -> memref<1x128xi32, #tpu.memory_space<vmem>>
    %dma_start3A_46 = tpu.memref_squeeze %dma_start3A_45 : memref<1x128xi32, #tpu.memory_space<vmem>> -> memref<128xi32, #tpu.memory_space<vmem>>
    %dma_start3A_47 = arith.constant 0 : i32
    %dma_start3A_48 = arith.constant 0 : i32
    %dma_start3A_49 = tpu.memref_slice %arg3[%dma_start3A_47, %dma_start3A_48] : memref<100000x16xf32, #tpu.memory_space<hbm>> -> memref<100000x16xf32, #tpu.memory_space<hbm>>
    tpu.enqueue_indirect_dma source(%dma_start3A_49 : memref<100000x16xf32, #tpu.memory_space<hbm>>) target(%dma_start3A_43 : memref<128x16xf32, #tpu.memory_space<vmem>>) offsets(%dma_start3A_46 : memref<128xi32, #tpu.memory_space<vmem>>) semaphore(%arg8 : memref<!tpu.dma_semaphore, #tpu.memory_space<semaphore_mem>>)
    %dma_wait3A = arith.constant 0 : i32
    %dma_wait3A_50 = arith.constant 0 : i32
    %dma_wait3A_51 = arith.constant 0 : i32
    %dma_wait3A_52 = tpu.memref_slice %arg6[%dma_wait3A_50, %dma_wait3A_51] : memref<640x16xf32, #tpu.memory_space<vmem>> -> memref<128x16xf32, #tpu.memory_space<vmem>>
    %dma_wait3A_53 = arith.constant 0 : i32
    %dma_wait3A_54 = tpu.memref_slice %arg5[%dma_wait3A, %dma_wait3A_53] : memref<5x128xi32, #tpu.memory_space<vmem>> -> memref<1x128xi32, #tpu.memory_space<vmem>>
    %dma_wait3A_55 = tpu.memref_squeeze %dma_wait3A_54 : memref<1x128xi32, #tpu.memory_space<vmem>> -> memref<128xi32, #tpu.memory_space<vmem>>
    %dma_wait3A_56 = arith.constant 0 : i32
    %dma_wait3A_57 = arith.constant 0 : i32
    %dma_wait3A_58 = tpu.memref_slice %arg3[%dma_wait3A_56, %dma_wait3A_57] : memref<100000x16xf32, #tpu.memory_space<hbm>> -> memref<100000x16xf32, #tpu.memory_space<hbm>>
    tpu.wait_indirect_dma semaphore(%arg8 : memref<!tpu.dma_semaphore, #tpu.memory_space<semaphore_mem>>) src(%dma_wait3A_58 : memref<100000x16xf32, #tpu.memory_space<hbm>>) dst(%dma_wait3A_52 : memref<128x16xf32, #tpu.memory_space<vmem>>)
    %dma_wait3A_59 = arith.constant 1 : i32
    %dma_wait3A_60 = arith.constant 128 : i32
    %dma_wait3A_61 = arith.constant 0 : i32
    %dma_wait3A_62 = tpu.memref_slice %arg6[%dma_wait3A_60, %dma_wait3A_61] : memref<640x16xf32, #tpu.memory_space<vmem>> -> memref<128x16xf32, #tpu.memory_space<vmem>>
    %dma_wait3A_63 = arith.constant 0 : i32
    %dma_wait3A_64 = tpu.memref_slice %arg5[%dma_wait3A_59, %dma_wait3A_63] : memref<5x128xi32, #tpu.memory_space<vmem>> -> memref<1x128xi32, #tpu.memory_space<vmem>>
    %dma_wait3A_65 = tpu.memref_squeeze %dma_wait3A_64 : memref<1x128xi32, #tpu.memory_space<vmem>> -> memref<128xi32, #tpu.memory_space<vmem>>
    %dma_wait3A_66 = arith.constant 0 : i32
    %dma_wait3A_67 = arith.constant 0 : i32
    %dma_wait3A_68 = tpu.memref_slice %arg3[%dma_wait3A_66, %dma_wait3A_67] : memref<100000x16xf32, #tpu.memory_space<hbm>> -> memref<100000x16xf32, #tpu.memory_space<hbm>>
    tpu.wait_indirect_dma semaphore(%arg8 : memref<!tpu.dma_semaphore, #tpu.memory_space<semaphore_mem>>) src(%dma_wait3A_68 : memref<100000x16xf32, #tpu.memory_space<hbm>>) dst(%dma_wait3A_62 : memref<128x16xf32, #tpu.memory_space<vmem>>)
    %dma_wait3A_69 = arith.constant 2 : i32
    %dma_wait3A_70 = arith.constant 256 : i32
    %dma_wait3A_71 = arith.constant 0 : i32
    %dma_wait3A_72 = tpu.memref_slice %arg6[%dma_wait3A_70, %dma_wait3A_71] : memref<640x16xf32, #tpu.memory_space<vmem>> -> memref<128x16xf32, #tpu.memory_space<vmem>>
    %dma_wait3A_73 = arith.constant 0 : i32
    %dma_wait3A_74 = tpu.memref_slice %arg5[%dma_wait3A_69, %dma_wait3A_73] : memref<5x128xi32, #tpu.memory_space<vmem>> -> memref<1x128xi32, #tpu.memory_space<vmem>>
    %dma_wait3A_75 = tpu.memref_squeeze %dma_wait3A_74 : memref<1x128xi32, #tpu.memory_space<vmem>> -> memref<128xi32, #tpu.memory_space<vmem>>
    %dma_wait3A_76 = arith.constant 0 : i32
    %dma_wait3A_77 = arith.constant 0 : i32
    %dma_wait3A_78 = tpu.memref_slice %arg3[%dma_wait3A_76, %dma_wait3A_77] : memref<100000x16xf32, #tpu.memory_space<hbm>> -> memref<100000x16xf32, #tpu.memory_space<hbm>>
    tpu.wait_indirect_dma semaphore(%arg8 : memref<!tpu.dma_semaphore, #tpu.memory_space<semaphore_mem>>) src(%dma_wait3A_78 : memref<100000x16xf32, #tpu.memory_space<hbm>>) dst(%dma_wait3A_72 : memref<128x16xf32, #tpu.memory_space<vmem>>)
    %dma_wait3A_79 = arith.constant 3 : i32
    %dma_wait3A_80 = arith.constant 384 : i32
    %dma_wait3A_81 = arith.constant 0 : i32
    %dma_wait3A_82 = tpu.memref_slice %arg6[%dma_wait3A_80, %dma_wait3A_81] : memref<640x16xf32, #tpu.memory_space<vmem>> -> memref<128x16xf32, #tpu.memory_space<vmem>>
    %dma_wait3A_83 = arith.constant 0 : i32
    %dma_wait3A_84 = tpu.memref_slice %arg5[%dma_wait3A_79, %dma_wait3A_83] : memref<5x128xi32, #tpu.memory_space<vmem>> -> memref<1x128xi32, #tpu.memory_space<vmem>>
    %dma_wait3A_85 = tpu.memref_squeeze %dma_wait3A_84 : memref<1x128xi32, #tpu.memory_space<vmem>> -> memref<128xi32, #tpu.memory_space<vmem>>
    %dma_wait3A_86 = arith.constant 0 : i32
    %dma_wait3A_87 = arith.constant 0 : i32
    %dma_wait3A_88 = tpu.memref_slice %arg3[%dma_wait3A_86, %dma_wait3A_87] : memref<100000x16xf32, #tpu.memory_space<hbm>> -> memref<100000x16xf32, #tpu.memory_space<hbm>>
    tpu.wait_indirect_dma semaphore(%arg8 : memref<!tpu.dma_semaphore, #tpu.memory_space<semaphore_mem>>) src(%dma_wait3A_88 : memref<100000x16xf32, #tpu.memory_space<hbm>>) dst(%dma_wait3A_82 : memref<128x16xf32, #tpu.memory_space<vmem>>)
    %dma_wait3A_89 = arith.constant 4 : i32
    %dma_wait3A_90 = arith.constant 512 : i32
    %dma_wait3A_91 = arith.constant 0 : i32
    %dma_wait3A_92 = tpu.memref_slice %arg6[%dma_wait3A_90, %dma_wait3A_91] : memref<640x16xf32, #tpu.memory_space<vmem>> -> memref<128x16xf32, #tpu.memory_space<vmem>>
    %dma_wait3A_93 = arith.constant 0 : i32
    %dma_wait3A_94 = tpu.memref_slice %arg5[%dma_wait3A_89, %dma_wait3A_93] : memref<5x128xi32, #tpu.memory_space<vmem>> -> memref<1x128xi32, #tpu.memory_space<vmem>>
    %dma_wait3A_95 = tpu.memref_squeeze %dma_wait3A_94 : memref<1x128xi32, #tpu.memory_space<vmem>> -> memref<128xi32, #tpu.memory_space<vmem>>
    %dma_wait3A_96 = arith.constant 0 : i32
    %dma_wait3A_97 = arith.constant 0 : i32
    %dma_wait3A_98 = tpu.memref_slice %arg3[%dma_wait3A_96, %dma_wait3A_97] : memref<100000x16xf32, #tpu.memory_space<hbm>> -> memref<100000x16xf32, #tpu.memory_space<hbm>>
    tpu.wait_indirect_dma semaphore(%arg8 : memref<!tpu.dma_semaphore, #tpu.memory_space<semaphore_mem>>) src(%dma_wait3A_98 : memref<100000x16xf32, #tpu.memory_space<hbm>>) dst(%dma_wait3A_92 : memref<128x16xf32, #tpu.memory_space<vmem>>)
    %scan3A = arith.constant 0 : i32
    %scan3A_99 = arith.constant 0 : i32
    %scan3A_100 = arith.constant 32 : i32
    %scan3A_101 = arith.addi %scan3A_99, %scan3A_100 : i32
    %scan3A_102 = arith.constant 1 : i32
    scf.for %scan3A_106 = %scan3A_99 to %scan3A_101 step %scan3A_102  : i32 {
      %mul3A_107 = arith.constant 20 : i32
      %mul3A_108 = arith.muli %scan3A_106, %mul3A_107 : i32
      %get3A = arith.index_cast %mul3A_108 : i32 to index
      %get3A_109 = arith.constant 0 : index
      %get3A_110 = tpu.vector_load %arg6[%get3A, %get3A_109] {strides = array<i32>} : memref<640x16xf32, #tpu.memory_space<vmem>>, vector<1x16xf32>,
      %get3A_111 = vector.shape_cast %get3A_110 : vector<1x16xf32> to vector<16xf32>
      %add3A_112 = arith.constant 1 : i32
      %add3A_113 = arith.addi %mul3A_108, %add3A_112 : i32
      %get3A_114 = arith.index_cast %add3A_113 : i32 to index
      %get3A_115 = arith.constant 0 : index
      %get3A_116 = tpu.vector_load %arg6[%get3A_114, %get3A_115] {strides = array<i32>} : memref<640x16xf32, #tpu.memory_space<vmem>>, vector<1x16xf32>,
      %get3A_117 = vector.shape_cast %get3A_116 : vector<1x16xf32> to vector<16xf32>
      %add3A_118 = arith.addf %get3A_111, %get3A_117 : vector<16xf32>
      %add3A_119 = arith.constant 2 : i32
      %add3A_120 = arith.addi %mul3A_108, %add3A_119 : i32
      %get3A_121 = arith.index_cast %add3A_120 : i32 to index
      %get3A_122 = arith.constant 0 : index
      %get3A_123 = tpu.vector_load %arg6[%get3A_121, %get3A_122] {strides = array<i32>} : memref<640x16xf32, #tpu.memory_space<vmem>>, vector<1x16xf32>,
      %get3A_124 = vector.shape_cast %get3A_123 : vector<1x16xf32> to vector<16xf32>
      %add3A_125 = arith.addf %add3A_118, %get3A_124 : vector<16xf32>
      %add3A_126 = arith.constant 3 : i32
      %add3A_127 = arith.addi %mul3A_108, %add3A_126 : i32
      %get3A_128 = arith.index_cast %add3A_127 : i32 to index
      %get3A_129 = arith.constant 0 : index
      %get3A_130 = tpu.vector_load %arg6[%get3A_128, %get3A_129] {strides = array<i32>} : memref<640x16xf32, #tpu.memory_space<vmem>>, vector<1x16xf32>,
      %get3A_131 = vector.shape_cast %get3A_130 : vector<1x16xf32> to vector<16xf32>
      %add3A_132 = arith.addf %add3A_125, %get3A_131 : vector<16xf32>
      %add3A_133 = arith.constant 4 : i32
      %add3A_134 = arith.addi %mul3A_108, %add3A_133 : i32
      %get3A_135 = arith.index_cast %add3A_134 : i32 to index
      %get3A_136 = arith.constant 0 : index
      %get3A_137 = tpu.vector_load %arg6[%get3A_135, %get3A_136] {strides = array<i32>} : memref<640x16xf32, #tpu.memory_space<vmem>>, vector<1x16xf32>,
      %get3A_138 = vector.shape_cast %get3A_137 : vector<1x16xf32> to vector<16xf32>
      %add3A_139 = arith.addf %add3A_132, %get3A_138 : vector<16xf32>
      %add3A_140 = arith.constant 5 : i32
      %add3A_141 = arith.addi %mul3A_108, %add3A_140 : i32
      %get3A_142 = arith.index_cast %add3A_141 : i32 to index
      %get3A_143 = arith.constant 0 : index
      %get3A_144 = tpu.vector_load %arg6[%get3A_142, %get3A_143] {strides = array<i32>} : memref<640x16xf32, #tpu.memory_space<vmem>>, vector<1x16xf32>,
      %get3A_145 = vector.shape_cast %get3A_144 : vector<1x16xf32> to vector<16xf32>
      %add3A_146 = arith.addf %add3A_139, %get3A_145 : vector<16xf32>
      %add3A_147 = arith.constant 6 : i32
      %add3A_148 = arith.addi %mul3A_108, %add3A_147 : i32
      %get3A_149 = arith.index_cast %add3A_148 : i32 to index
      %get3A_150 = arith.constant 0 : index
      %get3A_151 = tpu.vector_load %arg6[%get3A_149, %get3A_150] {strides = array<i32>} : memref<640x16xf32, #tpu.memory_space<vmem>>, vector<1x16xf32>,
      %get3A_152 = vector.shape_cast %get3A_151 : vector<1x16xf32> to vector<16xf32>
      %add3A_153 = arith.addf %add3A_146, %get3A_152 : vector<16xf32>
      %add3A_154 = arith.constant 7 : i32
      %add3A_155 = arith.addi %mul3A_108, %add3A_154 : i32
      %get3A_156 = arith.index_cast %add3A_155 : i32 to index
      %get3A_157 = arith.constant 0 : index
      %get3A_158 = tpu.vector_load %arg6[%get3A_156, %get3A_157] {strides = array<i32>} : memref<640x16xf32, #tpu.memory_space<vmem>>, vector<1x16xf32>,
      %get3A_159 = vector.shape_cast %get3A_158 : vector<1x16xf32> to vector<16xf32>
      %add3A_160 = arith.addf %add3A_153, %get3A_159 : vector<16xf32>
      %add3A_161 = arith.constant 8 : i32
      %add3A_162 = arith.addi %mul3A_108, %add3A_161 : i32
      %get3A_163 = arith.index_cast %add3A_162 : i32 to index
      %get3A_164 = arith.constant 0 : index
      %get3A_165 = tpu.vector_load %arg6[%get3A_163, %get3A_164] {strides = array<i32>} : memref<640x16xf32, #tpu.memory_space<vmem>>, vector<1x16xf32>,
      %get3A_166 = vector.shape_cast %get3A_165 : vector<1x16xf32> to vector<16xf32>
      %add3A_167 = arith.addf %add3A_160, %get3A_166 : vector<16xf32>
      %add3A_168 = arith.constant 9 : i32
      %add3A_169 = arith.addi %mul3A_108, %add3A_168 : i32
      %get3A_170 = arith.index_cast %add3A_169 : i32 to index
      %get3A_171 = arith.constant 0 : index
      %get3A_172 = tpu.vector_load %arg6[%get3A_170, %get3A_171] {strides = array<i32>} : memref<640x16xf32, #tpu.memory_space<vmem>>, vector<1x16xf32>,
      %get3A_173 = vector.shape_cast %get3A_172 : vector<1x16xf32> to vector<16xf32>
      %add3A_174 = arith.addf %add3A_167, %get3A_173 : vector<16xf32>
      %add3A_175 = arith.constant 10 : i32
      %add3A_176 = arith.addi %mul3A_108, %add3A_175 : i32
      %get3A_177 = arith.index_cast %add3A_176 : i32 to index
      %get3A_178 = arith.constant 0 : index
      %get3A_179 = tpu.vector_load %arg6[%get3A_177, %get3A_178] {strides = array<i32>} : memref<640x16xf32, #tpu.memory_space<vmem>>, vector<1x16xf32>,
      %get3A_180 = vector.shape_cast %get3A_179 : vector<1x16xf32> to vector<16xf32>
      %add3A_181 = arith.addf %add3A_174, %get3A_180 : vector<16xf32>
      %add3A_182 = arith.constant 11 : i32
      %add3A_183 = arith.addi %mul3A_108, %add3A_182 : i32
      %get3A_184 = arith.index_cast %add3A_183 : i32 to index
      %get3A_185 = arith.constant 0 : index
      %get3A_186 = tpu.vector_load %arg6[%get3A_184, %get3A_185] {strides = array<i32>} : memref<640x16xf32, #tpu.memory_space<vmem>>, vector<1x16xf32>,
      %get3A_187 = vector.shape_cast %get3A_186 : vector<1x16xf32> to vector<16xf32>
      %add3A_188 = arith.addf %add3A_181, %get3A_187 : vector<16xf32>
      %add3A_189 = arith.constant 12 : i32
      %add3A_190 = arith.addi %mul3A_108, %add3A_189 : i32
      %get3A_191 = arith.index_cast %add3A_190 : i32 to index
      %get3A_192 = arith.constant 0 : index
      %get3A_193 = tpu.vector_load %arg6[%get3A_191, %get3A_192] {strides = array<i32>} : memref<640x16xf32, #tpu.memory_space<vmem>>, vector<1x16xf32>,
      %get3A_194 = vector.shape_cast %get3A_193 : vector<1x16xf32> to vector<16xf32>
      %add3A_195 = arith.addf %add3A_188, %get3A_194 : vector<16xf32>
      %add3A_196 = arith.constant 13 : i32
      %add3A_197 = arith.addi %mul3A_108, %add3A_196 : i32
      %get3A_198 = arith.index_cast %add3A_197 : i32 to index
      %get3A_199 = arith.constant 0 : index
      %get3A_200 = tpu.vector_load %arg6[%get3A_198, %get3A_199] {strides = array<i32>} : memref<640x16xf32, #tpu.memory_space<vmem>>, vector<1x16xf32>,
      %get3A_201 = vector.shape_cast %get3A_200 : vector<1x16xf32> to vector<16xf32>
      %add3A_202 = arith.addf %add3A_195, %get3A_201 : vector<16xf32>
      %add3A_203 = arith.constant 14 : i32
      %add3A_204 = arith.addi %mul3A_108, %add3A_203 : i32
      %get3A_205 = arith.index_cast %add3A_204 : i32 to index
      %get3A_206 = arith.constant 0 : index
      %get3A_207 = tpu.vector_load %arg6[%get3A_205, %get3A_206] {strides = array<i32>} : memref<640x16xf32, #tpu.memory_space<vmem>>, vector<1x16xf32>,
      %get3A_208 = vector.shape_cast %get3A_207 : vector<1x16xf32> to vector<16xf32>
      %add3A_209 = arith.addf %add3A_202, %get3A_208 : vector<16xf32>
      %add3A_210 = arith.constant 15 : i32
      %add3A_211 = arith.addi %mul3A_108, %add3A_210 : i32
      %get3A_212 = arith.index_cast %add3A_211 : i32 to index
      %get3A_213 = arith.constant 0 : index
      %get3A_214 = tpu.vector_load %arg6[%get3A_212, %get3A_213] {strides = array<i32>} : memref<640x16xf32, #tpu.memory_space<vmem>>, vector<1x16xf32>,
      %get3A_215 = vector.shape_cast %get3A_214 : vector<1x16xf32> to vector<16xf32>
      %add3A_216 = arith.addf %add3A_209, %get3A_215 : vector<16xf32>
      %add3A_217 = arith.constant 16 : i32
      %add3A_218 = arith.addi %mul3A_108, %add3A_217 : i32
      %get3A_219 = arith.index_cast %add3A_218 : i32 to index
      %get3A_220 = arith.constant 0 : index
      %get3A_221 = tpu.vector_load %arg6[%get3A_219, %get3A_220] {strides = array<i32>} : memref<640x16xf32, #tpu.memory_space<vmem>>, vector<1x16xf32>,
      %get3A_222 = vector.shape_cast %get3A_221 : vector<1x16xf32> to vector<16xf32>
      %add3A_223 = arith.addf %add3A_216, %get3A_222 : vector<16xf32>
      %add3A_224 = arith.constant 17 : i32
      %add3A_225 = arith.addi %mul3A_108, %add3A_224 : i32
      %get3A_226 = arith.index_cast %add3A_225 : i32 to index
      %get3A_227 = arith.constant 0 : index
      %get3A_228 = tpu.vector_load %arg6[%get3A_226, %get3A_227] {strides = array<i32>} : memref<640x16xf32, #tpu.memory_space<vmem>>, vector<1x16xf32>,
      %get3A_229 = vector.shape_cast %get3A_228 : vector<1x16xf32> to vector<16xf32>
      %add3A_230 = arith.addf %add3A_223, %get3A_229 : vector<16xf32>
      %add3A_231 = arith.constant 18 : i32
      %add3A_232 = arith.addi %mul3A_108, %add3A_231 : i32
      %get3A_233 = arith.index_cast %add3A_232 : i32 to index
      %get3A_234 = arith.constant 0 : index
      %get3A_235 = tpu.vector_load %arg6[%get3A_233, %get3A_234] {strides = array<i32>} : memref<640x16xf32, #tpu.memory_space<vmem>>, vector<1x16xf32>,
      %get3A_236 = vector.shape_cast %get3A_235 : vector<1x16xf32> to vector<16xf32>
      %add3A_237 = arith.addf %add3A_230, %get3A_236 : vector<16xf32>
      %add3A_238 = arith.constant 19 : i32
      %add3A_239 = arith.addi %mul3A_108, %add3A_238 : i32
      %get3A_240 = arith.index_cast %add3A_239 : i32 to index
      %get3A_241 = arith.constant 0 : index
      %get3A_242 = tpu.vector_load %arg6[%get3A_240, %get3A_241] {strides = array<i32>} : memref<640x16xf32, #tpu.memory_space<vmem>>, vector<1x16xf32>,
      %get3A_243 = vector.shape_cast %get3A_242 : vector<1x16xf32> to vector<16xf32>
      %add3A_244 = arith.addf %add3A_237, %get3A_243 : vector<16xf32>
      %mul3A_245 = arith.constant 5.000000e-02 : f32
      %mul3A_246 = vector.broadcast %mul3A_245 : f32 to vector<16xf32>
      %mul3A_247 = arith.mulf %add3A_244, %mul3A_246 : vector<16xf32>
      %swap3A = arith.index_cast %scan3A_106 : i32 to index
      %swap3A_248 = arith.constant 0 : index
      %swap3A_249 = tpu.vector_load %arg7[%swap3A, %swap3A_248] {strides = array<i32>} : memref<32x16xf32, #tpu.memory_space<vmem>>, vector<1x16xf32>,
      %swap3A_250 = vector.shape_cast %swap3A_249 : vector<1x16xf32> to vector<16xf32>
      %swap3A_251 = vector.shape_cast %mul3A_247 : vector<16xf32> to vector<1x16xf32>
      tpu.vector_store %arg7[%swap3A, %swap3A_248], %swap3A_251 {strides = array<i32>} : memref<32x16xf32, #tpu.memory_space<vmem>>, vector<1x16xf32>,
    }
    %scan3A_103 = arith.constant 32 : i32
    %mul3A_104 = arith.constant 32 : i32
    %mul3A_105 = arith.muli %add3A, %mul3A_104 : i32
    "tpu.region"() ({
      %run_scoped3A = tpu.sem_alloc : memref<!tpu.dma_semaphore, #tpu.memory_space<semaphore_mem>>
      %dma_start3A_106 = arith.constant 0 : i32
      %dma_start3A_107 = tpu.memref_slice %arg4[%mul3A_105, %dma_start3A_106] : memref<1024x16xf32, #tpu.memory_space<hbm>> -> memref<32x16xf32, #tpu.memory_space<hbm>>
      %dma_start3A_108 = arith.constant 0 : i32
      %dma_start3A_109 = tpu.memref_slice %arg4[%mul3A_105, %dma_start3A_108] : memref<1024x16xf32, #tpu.memory_space<hbm>> -> memref<32x16xf32, #tpu.memory_space<hbm>>
      tpu.enqueue_dma source(%arg7 : memref<32x16xf32, #tpu.memory_space<vmem>>) target(%dma_start3A_109 : memref<32x16xf32, #tpu.memory_space<hbm>>) target_semaphore(%run_scoped3A : memref<!tpu.dma_semaphore, #tpu.memory_space<semaphore_mem>>)
      %dma_wait3A_110 = arith.constant 0 : i32
      %dma_wait3A_111 = tpu.memref_slice %arg4[%mul3A_105, %dma_wait3A_110] : memref<1024x16xf32, #tpu.memory_space<hbm>> -> memref<32x16xf32, #tpu.memory_space<hbm>>
      %dma_wait3A_112 = arith.constant 0 : i32
      %dma_wait3A_113 = tpu.memref_slice %arg4[%mul3A_105, %dma_wait3A_112] : memref<1024x16xf32, #tpu.memory_space<hbm>> -> memref<32x16xf32, #tpu.memory_space<hbm>>
      tpu.wait_dma2 semaphore(%run_scoped3A : memref<!tpu.dma_semaphore, #tpu.memory_space<semaphore_mem>>) src(%arg7 : memref<32x16xf32, #tpu.memory_space<vmem>>) dst(%dma_wait3A_113 : memref<32x16xf32, #tpu.memory_space<hbm>>)
      tpu.yield
    }) : () -> ()
    return
  }
}

</mosaic_0001>

<sc_bundles>
// kernel: _pool_sc.3.cloned.1.call-start
scs
__scs_entry_jumppad:
0x0: {  	(pc) =	sbr.rel $0x88, $3  }
0x1: {  	(tag) =	ssettag $0x0;
	lr =	simm.s32 $0x1  }
0x2: {  	[smem:$0x3F9F] =	sst lr;
	_ =	strace $0xD0000000  }
0x3: {  	_ = 	snop  }
0x4: {  	_ = 	snop  }
0x5: {  	_ = 	snop  }
0x6: {  	_ = 	snop  }
0x7: {  	_ = 	snop  }
__scs_overlays_trampoline_lowered:
0x8: {  	[smem:$0x3FAE] =	sst s0  }
0x9: {  	[smem:$0x3FAF] =	sst s1  }
0xa: {  	[smem:$0x3FB0] =	sst s2  }
0xb: {  	[smem:$0x3FB1] =	sst s3  }
0xc: {  	[smem:$0x3FB2] =	sst s4  }
0xd: {  	[smem:$0x3FB3] =	sst s5  }
0xe: {  	[smem:$0x3FB4] =	sst s6  }
0xf: {  	[smem:$0x3FB5] =	sst s7  }
0x10: {  	[smem:$0x3FB6] =	sst s8  }
0x11: {  	[smem:$0x3FB7] =	sst s9;
	s0 =	simm.s32 @!p0 $0x0  }
0x12: {  	s1 =	sld [smem:$0x3F9D];
	s0 =	simm.s32 @p0 $0x1  }
0x13: {  	[smem:$0x3FB8] =	sst s0;
	s0 =	simm.s32 @!p1 $0x0  }
0x14: {  	s2 =	sld [smem:$0x3F9C];
	s0 =	simm.s32 @p1 $0x1  }
0x15: {  	[smem:$0x3FB9] =	sst s0;
	s0 =	simm.s32 @!p2 $0x0  }
0x16: {  	s3 =	sld [smem:$0x3FDB];
	s0 =	simm.s32 @p2 $0x1  }
0x17: {  	s4 =	simm.s32 $0x1BF5;
	[smem:$0x3FBB] =	sst s0  }
0x18: {  	s0 =	sld [smem:$0x3F9E];
	_ =	swait.ge [sflag:s4], $0x0  }
0x19: {  	s7 =	sld [smem:$0x3F9F]  }
0x1a: {  	s8 =	sadd.s32 $0xFFFFE003, lr  }
0x1b: {  	s9 =	sadd.s32 $0xFFFFFEF7, lr;
	s5 =	simm.s32 $0xFFFFFFFF;
	p2 =	slt.u32 s8, $0xFFFFF086  }
0x1c: {  	p1 =	slt.u32 s9, $0xF7A;
	s5 =	simm.s32 @!p2 $0x0  }
0x1d: {  	s5 =	simm.s32 @p1 $0x1;
	p0 =	seq.s32 s7, s2  }
0x1e: {  	s7 =	smul.u32 @!p0 $0xF7A, s2;
	p2 =	seq.s32 @!p0 s5, $0x0  }
0x1f: {  	s9 =	smul.u32 $0xF7A, s1;
	s8 =	simm.s32 @!p0 $0x1BF5;
	p2 =	por !p2, p0  }
0x20: {  	[sflag:s8] =	ssyncset.s32 @!p0 $0xFFFFF086;
	s6 =	sadd.s32 @!p0 s3, s7;
	s7 =	simm.s32 @!p0 $0x108  }
0x21: {  	s3 =	sadd.s32 s3, s9;
	s6 =	sadd.s32 @!p0 $0x88, s6;
	s7 =	simm.s32 @p2 $0x1082  }
0x22: {  	[simem:s7], [sflag:s8] =	dma.local @!p0 [hbm:s6], $0xF7A  }
0x23: {  	s9 =	sor.u32 $0xD0000000, s2;
	s6 =	simm.s32 $0x108;
	_ =	swait.ge @!p0 [sflag:s8], $0x0  }
0x24: {  	s3 =	sadd.s32 $0x88, s3;
	s6 =	simm.s32 @!p1 $0x1082;
	[sflag:s4] =	ssyncset.s32 $0xFFFFF086  }
0x25: {  	[simem:s6], [sflag:s4] =	dma.local [hbm:s3], $0xF7A  }
0x26: {  	[smem:$0x3F9F] =	sst s1;
	(tag) =	ssettag s2;
	_ =	strace s9  }
0x27: {  	s1 =	sld [smem:$0x3FAF]  }
0x28: {  	s2 =	sld [smem:$0x3FB0]  }
0x29: {  	s4 =	sld [smem:$0x3FB2]  }
0x2a: {  	p0 =	seq.s32 s5, $0x0;
	s5 =	sld [smem:$0x3FB3]  }
0x2b: {  	s6 =	sld [smem:$0x3FB4]  }
0x2c: {  	s7 =	sld [smem:$0x3FB5]  }
0x2d: {  	s3 =	simm.s32 $0x108;
	s8 =	sld [smem:$0x3FB6]  }
0x2e: {  	s3 =	simm.s32 @!p0 $0x1082;
	s9 =	sld [smem:$0x3FB7]  }
0x2f: {  	lr =	sadd.s32 s0, s3;
	s0 =	sld [smem:$0x3FAE]  }
0x30: {  	s3 =	sld [smem:$0x3FB1]  }
0x31: {  	[smem:$0x3FBA] =	sst s10  }
0x32: {  	s10 =	sld [smem:$0x3FB8];
	_ =	sdelay $0x3  }
0x33: {  	p0 =	seq.s32 s10, $0x1;
	s10 =	sld [smem:$0x3FBA];
	_ =	sdelay $0x3  }
0x34: {  	[smem:$0x3FBA] =	sst s10  }
0x35: {  	s10 =	sld [smem:$0x3FB9];
	_ =	sdelay $0x3  }
0x36: {  	p1 =	seq.s32 s10, $0x1;
	s10 =	sld [smem:$0x3FBA];
	_ =	sdelay $0x3  }
0x37: {  	[smem:$0x3FBA] =	sst s10  }
0x38: {  	s10 =	sld [smem:$0x3FBB]  }
0x39: {  	_ = 	snop;
	(pc) =	sbr.ind lr, $3  }
0x3a: {  	_ = 	snop  }
0x3b: {  	_ = 	snop  }
0x3c: {  	p2 =	seq.s32 s10, $0x1;
	s10 =	sld [smem:$0x3FBA]  }
0x3d: {  	_ =	shalt  }
0x3e: {  	_ =	shalt  }
0x3f: {  	_ =	shalt  }
0x40: {  	_ =	shalt  }
0x41: {  	_ =	shalt  }
0x42: {  	_ =	shalt  }
0x43: {  	_ =	shalt  }
0x44: {  	_ =	shalt  }
0x45: {  	_ =	shalt  }
0x46: {  	_ =	shalt  }
0x47: {  	_ =	shalt  }
0x48: {  	_ =	shalt  }
0x49: {  	_ =	shalt  }
0x4a: {  	_ =	shalt  }
0x4b: {  	_ =	shalt  }
0x4c: {  	_ =	shalt  }
0x4d: {  	_ =	shalt  }
0x4e: {  	_ =	shalt  }
0x4f: {  	_ =	shalt  }
0x50: {  	_ =	shalt  }
0x51: {  	_ =	shalt  }
0x52: {  	_ =	shalt  }
0x53: {  	_ =	shalt  }
0x54: {  	_ =	shalt  }
0x55: {  	_ =	shalt  }
0x56: {  	_ =	shalt  }
0x57: {  	_ =	shalt  }
0x58: {  	_ =	shalt  }
0x59: {  	_ =	shalt  }
0x5a: {  	_ =	shalt  }
0x5b: {  	_ =	shalt  }
0x5c: {  	_ =	shalt  }
0x5d: {  	_ =	shalt  }
0x5e: {  	_ =	shalt  }
0x5f: {  	_ =	shalt  }
0x60: {  	_ =	shalt  }
0x61: {  	_ =	shalt  }
0x62: {  	_ =	shalt  }
0x63: {  	_ =	shalt  }
0x64: {  	_ =	shalt  }
0x65: {  	_ =	shalt  }
0x66: {  	_ =	shalt  }
0x67: {  	_ =	shalt  }
0x68: {  	_ =	shalt  }
0x69: {  	_ =	shalt  }
0x6a: {  	_ =	shalt  }
0x6b: {  	_ =	shalt  }
0x6c: {  	_ =	shalt  }
0x6d: {  	_ =	shalt  }
0x6e: {  	_ =	shalt  }
0x6f: {  	_ =	shalt  }
0x70: {  	_ =	shalt  }
0x71: {  	_ =	shalt  }
0x72: {  	_ =	shalt  }
0x73: {  	_ =	shalt  }
0x74: {  	_ =	shalt  }
0x75: {  	_ =	shalt  }
0x76: {  	_ =	shalt  }
0x77: {  	_ =	shalt  }
0x78: {  	_ =	shalt  }
0x79: {  	_ =	shalt  }
0x7a: {  	_ =	shalt  }
0x7b: {  	_ =	shalt  }
0x7c: {  	_ =	shalt  }
0x7d: {  	_ =	shalt  }
0x7e: {  	_ =	shalt  }
0x7f: {  	_ =	shalt  }
0x80: {  	_ =	shalt  }
0x81: {  	_ =	shalt  }
0x82: {  	_ =	shalt  }
0x83: {  	_ =	shalt  }
0x84: {  	_ =	shalt  }
0x85: {  	_ =	shalt  }
0x86: {  	_ =	shalt  }
0x87: {  	_ =	shalt  }
.Lfunc_end0:
.L_simem_size_0:
called_computation_lowered:
.L_overlay_start_0:
0x88: {  	s2 =	sld [smem:$0x3FD9]  }
0x89: {  	s3 =	sld [smem:$0x3FFE];
	_ =	sdelay $0x1  }
0x8a: {  	s1 =	srdreg.scid  }
0x8b: {  	s0 =	sand.u32 $0x1, s1  }
0x8c: {  	s17 =	sshll.u32 s0, $0xA;
	s2 =	sadd.s32 s3, s2  }
0x8d: {  	s2 =	sadd.s32 s2, s17  }
0x8e: {  	[smem:$0x3FC6] =	sst s2  }
0x8f: {  	_ = 	snop  }
0x90: {  	s2 =	sld [smem:$0x3FD0];
	(tm) =	ssettm $0x1  }
0x91: {  	s18 =	sld [smem:$0x3FFB];
	_ =	sdelay $0x3  }
0x92: {  	_ =	strace s18  }
0x93: {  	s3 =	sld [smem:$0x3FFC];
	_ =	sdelay $0x3  }
0x94: {  	_ =	strace s3  }
0x95: {  	s3 =	sld [smem:$0x3FFD];
	_ =	sdelay $0x3  }
0x96: {  	_ =	strace s3  }
0x97: {  	_ =	strace $0x8FFFFFFF  }
0x98: {  	s19 =	sld [smem:$0x3FDB];
	_ =	sdelay $0x1  }
0x99: {  	s4 =	simm.s32 $_scs_section_size  }
0x9a: {  	s5 =	simm.s32 $_size__tile_overlayer_lowered;
	s6 =	simm.s32 $_tile_overlayer_lowered  }
0x9b: {  	s22 =	simm.s32 $0x1BFF;
	s21 =	sshll.u32 s6, $0x1;
	s3 =	sadd.s32 s4, s19  }
0x9c: {  	s7 =	simm.s32 $0x0;
	s20 =	sshll.u32 s5, $0x1;
	s5 =	sadd.s32 s21, s3  }
0x9d: {  	[timem:s7], [sflag:s22] =	dma.local [hbm:s5], s20  }
0x9e: {  	_ =	swait.ge [sflag:s22], s20  }
0x9f: {  	s4 =	ssub.s32 $0x0, s20;
	[sflag:s22] =	ssyncset.done $0x0  }
0xa0: {  	[sflag:s22] =	ssyncadd.s32 s4;
	_ =	sdelay $0x1  }
0xa1: {  	s23 =	simm.s32 $0x1B8B  }
0xa2: {  	_ =	swait.ge [sflag:s23], $0x1  }
0xa3: {  	[sflag:s23] =	ssyncset.done $0x0  }
0xa4: {  	s25 =	simm.s32 $0x1B8E;
	s24 =	sld [smem:$0x3FFE];
	[sflag:s23] =	ssyncadd.s32 $0xFFFFFFFF  }
0xa5: {  	s26 =	simm.s32 $execute0_lowered;
	[smem:$0x3FD2] =	sst s25  }
0xa6: {  	s5 =	sshll.u32 s26, $0x1;
	_ =	strace $0x80000046;
	[dreg:$0x1] =	wrdreg $0xFFFFFFFF  }
0xa7: {  	s28 =	simm.s32 $_size_execute0_lowered;
	s3 =	sadd.s32 s3, s5;
	[dreg:$0x0] =	wrdreg $0x0  }
0xa8: {  	s5 =	sshll.u32 s28, $0x1;
	[dreg:$0x2] =	wrdreg s3  }
0xa9: {  	[dreg:$0x3] =	wrdreg s5  }
0xaa: {  	[dreg:$0x4] =	wrdreg $0xC0  }
0xab: {  	_ =	task [dreg:s7], $0x5FFFF  }
0xac: {  	[dreg:$0x1] =	wrdreg $0xFFFFFFFF  }
0xad: {  	[dreg:$0x0] =	wrdreg $0x60  }
0xae: {  	[dreg:$0x2] =	wrdreg s24  }
0xaf: {  	[dreg:$0x3] =	wrdreg s2  }
0xb0: {  	[dreg:$0x4] =	wrdreg $0x9  }
0xb1: {  	_ =	task.clear_ibuf [dreg:s7], $0x5FFFF;
	_ =	strace $0x90000046  }
0xb2: {  	s29 =	simm.s32 $0x9;
	_ =	strace $0x80000048  }
0xb3: {  	_ =	swait.ge [sflag:s29], $0x1  }
0xb4: {  	[sflag:s29] =	ssyncadd.s32 $0xFFFFFFFF  }
0xb5: {  	_ =	strace $0x90000048  }
0xb6: {  	_ =	sfence  }
0xb7: {  	s30 =	sld [smem:$0x0];
	_ =	sdelay $0x2  }
0xb8: {  	s31 =	sshll.u32 s1, $0xD;
	s1 =	sshrl.u32 s1, $0x2  }
0xb9: {  	s3 =	sand.u32 $0x4000, s31;
	s1 =	sadd.s32 s1, s30  }
0xba: {  	s0 =	sor.u32 s3, s0;
	s1 =	sshll.u32 s1, $0x11  }
0xbb: {  	s0 =	sor.u32 s1, s0  }
0xbc: {  	s0 =	sadd.s32 $0x8F2B, s0  }
0xbd: {  	[sflag:s0] =	ssyncadd.remote.s32 $0x1  }
0xbe: {  	_ =	sfence.sel $0xFFFF  }
0xbf: {  	[dreg:$0x0] =	wrdreg $0xFFFFFFFF;
	(pc) =	sbr.abs _section_cstart, $3  }
0xc0: {  	[dreg:$0x1] =	wrdreg $0xFFFFFFFF  }
0xc1: {  	_ =	task.clear_ibuf [dreg:s7], $0x2FFFF;
	_ =	strace $0x9FFFFFFF  }
0xc2: {  	(tm) =	ssettm $0x7FFFFFFF  }
0xc3: {  	_ =	shalt  }
tec
execute0_lowered:
.L_overlay_start_1:
0x0: {  	(tag) =	ssettag $0x1  }
0x1: {  	s3 =	rddreg [dreg:$0x0];
	s1 =	srdreg.scid  }
0x2: {  	s0 =	stileid.u32;
	s5 =	rddreg [dreg:$0x1]  }
0x3: {  	s2 =	simm.s32 $0x0;
	s9 =	simm.s32 $0x280;
	s10 =	simm.s32 $0xA80  }
0x4: {  	s11 =	simm.s32 $0x100;
	s12 =	simm.s32 $0x1280;
	s13 =	simm.s32 $0x180  }
0x5: {  	s14 =	simm.s32 $0x1A80;
	s15 =	simm.s32 $0x200;
	s16 =	simm.s32 $0x2280  }
0x6: {  	s17 =	simm.s32 $0x1;
	s18 =	simm.s32 $0x2A80;
	s19 =	simm.s32 $0x0  }
0x7: {  	s4 =	sand.u32 $0x1, s1;
	s6 =	sshll.u32 s0, $0x1;
	s1 =	rddreg [dreg:$0x2]  }
0x8: {  	[smem:$0x7FF] =	sst s2;
	s6 =	sor.u32 s4, s6;
	s4 =	ssub.s32 $0x2, s4  }
0x9: {  	s7 =	smul.u32 $0x50, s6;
	s8 =	sshrl.u32 s4, $0x1;
	s6 =	sshll.u32 s6, $0x6  }
0xa: {  	_ =	strace $0x80000047;
	s8 =	ssub.s32 s4, s8;
	s5 =	sadd.s32 s5, s6  }
0xb: {  	s7 =	sadd.s32 s7, s3;
	s3 =	sadd.s32 $0x187000, s3;
	s6 =	smax.u32 s8, $0x1  }
0xc: {  	s8 =	simm.s32 $0x80;
	s4 =	sadd.s32 $0x600, s7;
	s7 =	simm.s32 $0x2  }
.LBB2_1:
0xd: {  	[tilespmem:s2], [sflag:$0x2] =	stream.linear.gather [hbm4b:s4+s2], $0x280, $0x38;
	[tilespmem:$0x2C80] =	vst v63  }
0xe: {  	_ =	swait.ge [sflag:s7], $0x280  }
0xf: {  	[sflag:s7] =	ssyncset.done $0x0  }
0x10: {  	[sflag:s7] =	ssyncadd.s32 $0xFFFFFD80  }
0x11: {  	[tilespmem:s9], [sflag:$0x1] =	stream.indirect.gather [hbm4b:s3+s8], $0x10, s2, s8, $0xb8;
	[tilespmem:$0x2C80] =	vst v63  }
0x12: {  	_ = 	snop  }
0x13: {  	[tilespmem:s10], [sflag:$0x1] =	stream.indirect.gather [hbm4b:s3+s8], $0x10, s8, s8, $0xb8;
	[tilespmem:$0x2C80] =	vst v63  }
0x14: {  	_ = 	snop  }
0x15: {  	[tilespmem:s12], [sflag:$0x1] =	stream.indirect.gather [hbm4b:s3+s8], $0x10, s11, s8, $0xb8;
	[tilespmem:$0x2C80] =	vst v63  }
0x16: {  	_ = 	snop  }
0x17: {  	[tilespmem:s14], [sflag:$0x1] =	stream.indirect.gather [hbm4b:s3+s8], $0x10, s13, s8, $0xb8;
	[tilespmem:$0x2C80] =	vst v63  }
0x18: {  	_ = 	snop  }
0x19: {  	[tilespmem:s16], [sflag:$0x1] =	stream.indirect.gather [hbm4b:s3+s8], $0x10, s15, s8, $0xb8;
	[tilespmem:$0x2C80] =	vst v63  }
0x1a: {  	_ =	swait.ge [sflag:s17], $0x800  }
0x1b: {  	[sflag:s17] =	ssyncset.done $0x0  }
0x1c: {  	[sflag:s17] =	ssyncadd.s32 $0xFFFFF800  }
0x1d: {  	_ =	swait.ge [sflag:s17], $0x800  }
0x1e: {  	[sflag:s17] =	ssyncset.done $0x0  }
0x1f: {  	[sflag:s17] =	ssyncadd.s32 $0xFFFFF800  }
0x20: {  	_ =	swait.ge [sflag:s17], $0x800  }
0x21: {  	[sflag:s17] =	ssyncset.done $0x0  }
0x22: {  	[sflag:s17] =	ssyncadd.s32 $0xFFFFF800  }
0x23: {  	_ =	swait.ge [sflag:s17], $0x800  }
0x24: {  	[sflag:s17] =	ssyncset.done $0x0  }
0x25: {  	[sflag:s17] =	ssyncadd.s32 $0xFFFFF800  }
0x26: {  	_ =	swait.ge [sflag:s17], $0x800  }
0x27: {  	[sflag:s17] =	ssyncset.done $0x0  }
0x28: {  	s21 =	simm.s32 $0x320;
	[sflag:s17] =	ssyncadd.s32 $0xFFFFF800  }
0x29: {  	v0 =	vld [tilespmem:s21+$0xFFFFFF70]  }
0x2a: {  	s22 =	simm.s32 $0x40;
	s20 =	simm.s32 $0x0;
	v1 =	vld [tilespmem:s21+$0xFFFFFF60]  }
.LBB2_2:
0x2b: {  	p0 =	sne.s32 s22, $0x7C0  }
0x2c: {  	v2 =	vld [tilespmem:s21+$0xFFFFFF80];
	_ =	sdelay $0x1  }
0x2d: {  	v3 =	vld [tilespmem:s21+$0xFFFFFF90]  }
0x2e: {  	v0 =	vadd.f32 v0, v1  }
0x2f: {  	v1 =	vld [tilespmem:s21+$0xFFFFFFA0]  }
0x30: {  	v0 =	vadd.f32 v2, v0  }
0x31: {  	v2 =	vld [tilespmem:s21+$0xFFFFFFB0]  }
0x32: {  	v0 =	vadd.f32 v3, v0  }
0x33: {  	v3 =	vld [tilespmem:s21+$0xFFFFFFC0]  }
0x34: {  	v0 =	vadd.f32 v1, v0  }
0x35: {  	v1 =	vld [tilespmem:s21+$0xFFFFFFD0]  }
0x36: {  	v0 =	vadd.f32 v2, v0  }
0x37: {  	v2 =	vld [tilespmem:s21+$0xFFFFFFE0]  }
0x38: {  	v0 =	vadd.f32 v3, v0  }
0x39: {  	v3 =	vld [tilespmem:s21+$0xFFFFFFF0]  }
0x3a: {  	v0 =	vadd.f32 v1, v0  }
0x3b: {  	v1 =	vld [tilespmem:s21+$0x0]  }
0x3c: {  	v0 =	vadd.f32 v2, v0  }
0x3d: {  	v2 =	vld [tilespmem:s21+$0x10]  }
0x3e: {  	v0 =	vadd.f32 v3, v0  }
0x3f: {  	v3 =	vld [tilespmem:s21+$0x20]  }
0x40: {  	v0 =	vadd.f32 v1, v0  }
0x41: {  	v1 =	vld [tilespmem:s21+$0x30]  }
0x42: {  	v0 =	vadd.f32 v2, v0  }
0x43: {  	v2 =	vld [tilespmem:s21+$0x40]  }
0x44: {  	v0 =	vadd.f32 v3, v0  }
0x45: {  	v3 =	vld [tilespmem:s21+$0x50]  }
0x46: {  	v0 =	vadd.f32 v1, v0  }
0x47: {  	v1 =	vld [tilespmem:s21+$0x60]  }
0x48: {  	v0 =	vadd.f32 v2, v0  }
0x49: {  	v2 =	vld [tilespmem:s21+$0x70]  }
0x4a: {  	v0 =	vadd.f32 v3, v0  }
0x4b: {  	v3 =	vld [tilespmem:s21+$0x80]  }
0x4c: {  	v0 =	vadd.f32 v1, v0  }
0x4d: {  	v1 =	vld [tilespmem:s21+$0x90]  }
0x4e: {  	v0 =	vadd.f32 v2, v0;
	_ =	sdelay $0x1  }
0x4f: {  	v0 =	vadd.f32 v3, v0;
	_ =	sdelay $0x1  }
0x50: {  	v0 =	vadd.f32 v1, v0;
	_ =	sdelay $0x1  }
.Ltmp0:
0x51: {  	v0 =	vmul.f32 $5.000000070e-02, v0;
	(pc) =	sbr.rel @p0 .LBB2_2-.Ltmp0, $4  }
0x52: {  	s23 =	sshra.s32 s20, $0x2;
	s20 =	smov.u32 s22  }
0x53: {  	s21 =	sadd.s32 $0x140, s21;
	[tilespmem:s23+$0x2A80] =	vst v0  }
0x54: {  	v0 =	vld [tilespmem:s21+$0xFFFFFF70]  }
0x55: {  	s22 =	sadd.s32 $0x40, s22;
	v1 =	vld [tilespmem:s21+$0xFFFFFF60]  }
0x56: {  	_ = 	snop  }
0x57: {  	v2 =	vld [tilespmem:s21+$0xFFFFFF80];
	_ =	sdelay $0x1  }
0x58: {  	v3 =	vld [tilespmem:s21+$0xFFFFFF90]  }
0x59: {  	v0 =	vadd.f32 v0, v1  }
0x5a: {  	v48 =	vld [tilespmem:s21+$0xFFFFFFA0]  }
0x5b: {  	v0 =	vadd.f32 v2, v0  }
0x5c: {  	v49 =	vld [tilespmem:s21+$0xFFFFFFB0]  }
0x5d: {  	v0 =	vadd.f32 v3, v0  }
0x5e: {  	v50 =	vld [tilespmem:s21+$0xFFFFFFC0]  }
0x5f: {  	v0 =	vadd.f32 v48, v0  }
0x60: {  	v51 =	vld [tilespmem:s21+$0xFFFFFFD0]  }
0x61: {  	v0 =	vadd.f32 v49, v0  }
0x62: {  	v52 =	vld [tilespmem:s21+$0xFFFFFFE0]  }
0x63: {  	v0 =	vadd.f32 v50, v0  }
0x64: {  	v53 =	vld [tilespmem:s21+$0xFFFFFFF0]  }
0x65: {  	v0 =	vadd.f32 v51, v0  }
0x66: {  	v54 =	vld [tilespmem:s21+$0x0]  }
0x67: {  	v0 =	vadd.f32 v52, v0  }
0x68: {  	v55 =	vld [tilespmem:s21+$0x10]  }
0x69: {  	v0 =	vadd.f32 v53, v0  }
0x6a: {  	v56 =	vld [tilespmem:s21+$0x20]  }
0x6b: {  	v0 =	vadd.f32 v54, v0  }
0x6c: {  	v57 =	vld [tilespmem:s21+$0x30]  }
0x6d: {  	v0 =	vadd.f32 v55, v0  }
0x6e: {  	v58 =	vld [tilespmem:s21+$0x40]  }
0x6f: {  	v0 =	vadd.f32 v56, v0  }
0x70: {  	v59 =	vld [tilespmem:s21+$0x50]  }
0x71: {  	v0 =	vadd.f32 v57, v0  }
0x72: {  	v60 =	vld [tilespmem:s21+$0x60]  }
0x73: {  	v0 =	vadd.f32 v58, v0  }
0x74: {  	v61 =	vld [tilespmem:s21+$0x70]  }
0x75: {  	v0 =	vadd.f32 v59, v0  }
0x76: {  	v62 =	vld [tilespmem:s21+$0x80]  }
0x77: {  	v0 =	vadd.f32 v60, v0  }
0x78: {  	v63 =	vld [tilespmem:s21+$0x90]  }
0x79: {  	v0 =	vadd.f32 v61, v0;
	_ =	sdelay $0x1  }
0x7a: {  	v0 =	vadd.f32 v62, v0;
	_ =	sdelay $0x1  }
0x7b: {  	v0 =	vadd.f32 v63, v0;
	_ =	sdelay $0x1  }
0x7c: {  	s19 =	sadd.s32 $0x1, s19;
	v0 =	vmul.f32 $5.000000070e-02, v0  }
0x7d: {  	s20 =	sshra.s32 s20, $0x2;
	p0 =	sne.s32 s19, s6  }
.Ltmp1:
0x7e: {  	[tilespmem:s20+$0x2A80] =	vst v0;
	(pc) =	sbr.rel @p0 .LBB2_1-.Ltmp1, $4  }
0x7f: {  	[hbm4b:s5+s2] =	stream.linear.scatter [tilespmem:s18], [sflag:$0x2], $0x200, $0x38;
	[tilespmem:$0x2C80] =	vst v63  }
0x80: {  	_ =	swait.ge [sflag:s7], $0x200  }
0x81: {  	[sflag:s7] =	ssyncset.done $0x0  }
0x82: {  	[sflag:s7] =	ssyncadd.s32 $0xFFFFFE00  }
0x83: {  	_ =	sfence.sel $0x180000  }
0x84: {  	[bflag:$0x0] =	sbarrier.arrive $0xFFFF  }
0x85: {  	p0 =	sne.s32 s0, $0x0;
	_ =	strace $0x90000047  }
0x86: {  	s0 =	sadd.s32 @!p0 $0x100000, s1;
	[bflag:$0x2] =	sbarrier.arrive $0xFFFF  }
0x87: {  	[sflag:s0] =	ssyncadd.tile.s32 @!p0 $0x1;
	_ =	shalt  }
.Lfunc_end2:
_tile_overlayer_lowered:
.L_overlay_start_2:
0x88: {  	(tag) =	ssettag $0x2  }
0x89: {  	s0 =	rddreg [dreg:$0x0];
	s2 =	stileid.u32  }
0x8a: {  	s1 =	rddreg [dreg:$0x1];
	p0 =	sne.s32 s2, $0x0  }
0x8b: {  	s3 =	rddreg [dreg:$0x2];
	[bflag:$0x3] =	sbarrier.arrive $0xFFFF;
	s2 =	simm.s32 @!p0 $0x1C02  }
0x8c: {  	[timem:s3], [sflag:s2] =	dma.local @!p0 [hbm:s0], s1  }
0x8d: {  	s0 =	simm.s32 @!p0 $0x2  }
0x8e: {  	_ =	swait.ge @!p0 [sflag:s0], s1  }
0x8f: {  	s1 =	ssub.s32 @!p0 $0x0, s1;
	[sflag:s0] =	ssyncset.done @!p0 $0x0  }
0x90: {  	[sflag:s0] =	ssyncadd.s32 @!p0 s1  }
0x91: {  	[bflag:$0x3] =	sbarrier.arrive $0xFFFF  }
0x92: {  	_ =	shalt  }

</sc_bundles>
